<compile_context>
chip_gen: v7x
topology: tpu7x:2x2x1
jax: 0.10.2.dev20260603
libtpu: 0.0.44.dev20260713+nightly
codegen_flags: <defaults>
</compile_context>

<pallas_src>
import jax
import jax.numpy as jnp
from jax import lax
from jax.experimental import pallas as pl
from jax.experimental.pallas import tpu as pltpu
from jax.experimental.pallas import tpu_sc as plsc

B = 16384
EMBED_DIM = 32
NUM_BUCKETS = 1000
PAD_BUCKETS = 1024
NC, NS, L = 2, 16, 16
NW = NC * NS
CHUNK = B // NW
GATHER_W = 128
N_GATHERS = CHUNK // GATHER_W
TS_R = 2048


def _ts_body(ts_ref, blo_ref, bhi_ref, tab_ref, mean_ref, std_ref,
             emb_ref, norm_ref):
    ts = ts_ref[...]
    onehot = ((blo_ref[...] <= ts).astype(jnp.float32) -
              (bhi_ref[...] <= ts).astype(jnp.float32))
    emb_ref[...] = jnp.dot(onehot, tab_ref[...],
                           preferred_element_type=jnp.float32,
                           precision=lax.Precision.HIGHEST)
    norm_ref[...] = (ts - mean_ref[0, 0]) / std_ref[0, 0]


def _ts_embed(timestamp, ts_table, boundaries, ts_mean, ts_var):
    inf = jnp.full((PAD_BUCKETS - NUM_BUCKETS,), jnp.inf, jnp.float32)
    bhi = jnp.concatenate([boundaries, inf]).reshape(1, PAD_BUCKETS)
    blo = jnp.concatenate(
        [jnp.full((1,), -jnp.inf, jnp.float32), bhi[0, :PAD_BUCKETS - 1]]
    ).reshape(1, PAD_BUCKETS)
    tab = jnp.zeros((PAD_BUCKETS, EMBED_DIM), jnp.float32)
    tab = tab.at[:NUM_BUCKETS + 1].set(ts_table)
    mean = jnp.reshape(ts_mean, (1, 1)).astype(jnp.float32)
    std = jnp.reshape(jnp.sqrt(ts_var), (1, 1)).astype(jnp.float32)
    grid = B // TS_R
    return pl.pallas_call(
        _ts_body,
        grid=(grid,),
        in_specs=[
            pl.BlockSpec((TS_R, 1), lambda i: (i, 0)),
            pl.BlockSpec((1, PAD_BUCKETS), lambda i: (0, 0)),
            pl.BlockSpec((1, PAD_BUCKETS), lambda i: (0, 0)),
            pl.BlockSpec((PAD_BUCKETS, EMBED_DIM), lambda i: (0, 0)),
            pl.BlockSpec((1, 1), lambda i: (0, 0)),
            pl.BlockSpec((1, 1), lambda i: (0, 0)),
        ],
        out_specs=[
            pl.BlockSpec((TS_R, EMBED_DIM), lambda i: (i, 0)),
            pl.BlockSpec((TS_R, 1), lambda i: (i, 0)),
        ],
        out_shape=[
            jax.ShapeDtypeStruct((B, EMBED_DIM), jnp.float32),
            jax.ShapeDtypeStruct((B, 1), jnp.float32),
        ],
        compiler_params=pltpu.CompilerParams(
            dimension_semantics=("parallel",)),
    )(timestamp.reshape(B, 1).astype(jnp.float32), blo, bhi, tab, mean, std)


def _sc_body(uidx_hbm, utab_hbm, out_hbm, uidx_v, urows_v, gsem, osem):
    wid = lax.axis_index("s") * NC + lax.axis_index("c")
    base = wid * CHUNK

    pltpu.sync_copy(uidx_hbm.at[pl.ds(base, CHUNK)], uidx_v)
    copies = []
    for j in range(N_GATHERS):
        copies.append(pltpu.async_copy(
            utab_hbm.at[uidx_v.at[pl.ds(j * GATHER_W, GATHER_W)]],
            urows_v.at[pl.ds(j * GATHER_W, GATHER_W)], gsem))
    for c in copies:
        c.wait()
    out = pltpu.async_copy(urows_v, out_hbm.at[pl.ds(base, CHUNK)], osem)
    out.wait()


def kernel(user_idx, timestamp, user_table, ts_table, boundaries, ts_mean,
           ts_var):
    ts_emb, norm = _ts_embed(timestamp, ts_table, boundaries, ts_mean, ts_var)

    mesh = plsc.VectorSubcoreMesh(core_axis_name="c", subcore_axis_name="s")
    sc = pl.kernel(
        _sc_body,
        out_type=jax.ShapeDtypeStruct((B, EMBED_DIM), jnp.float32),
        mesh=mesh,
        compiler_params=pltpu.CompilerParams(
            use_tc_tiling_on_sc=False, needs_layout_passes=False),
        scratch_types=[
            pltpu.VMEM((CHUNK,), jnp.int32),
            pltpu.VMEM((CHUNK, EMBED_DIM), jnp.float32),
            pltpu.SemaphoreType.DMA,
            pltpu.SemaphoreType.DMA,
        ],
    )
    user_emb = sc(user_idx.astype(jnp.int32), user_table)
    return jnp.concatenate([user_emb, ts_emb, norm], axis=1)

# --- scband reference (transcript-rebuilt; emitter-appended) ---
"""Pipeline reference for scband-user-model-13469017440475 (READ-ONLY COPY).

The authoritative reference and input builder live on the scoring server;
editing this copy changes nothing except your own understanding.
"""

import jax, jax.numpy as jnp
import numpy as np

B = 16384
NUM_USERS = 1000000
NUM_BUCKETS = 1000
EMBED_DIM = 32

def setup_inputs(seed: int = 0) -> dict:
    key = jax.random.key(seed)
    k1, k2, k3, k4, k5 = jax.random.split(key, 5)
    # StringLookup output modeled as integer ids in [0, NUM_USERS] (0 = OOV)
    user_idx = jax.random.randint(k1, (B,), 0, NUM_USERS + 1)
    timestamp = jax.random.uniform(k2, (B,), dtype=jnp.float32, minval=0.0, maxval=1.0e9)
    user_table = jax.random.normal(k3, (NUM_USERS + 1, EMBED_DIM), dtype=jnp.float32) * 0.05
    ts_table = jax.random.normal(k4, (NUM_BUCKETS + 1, EMBED_DIM), dtype=jnp.float32) * 0.05
    boundaries = jnp.sort(jax.random.uniform(k5, (NUM_BUCKETS,), dtype=jnp.float32, minval=0.0, maxval=1.0e9))
    # Normalization layer statistics (adapted constants, non-trainable)
    ts_mean = jnp.asarray(5.0e8, dtype=jnp.float32)
    ts_var = jnp.asarray((1.0e9 ** 2) / 12.0, dtype=jnp.float32)
    return {"user_idx": user_idx, "timestamp": timestamp, "user_table": user_table,
            "ts_table": ts_table, "boundaries": boundaries, "ts_mean": ts_mean, "ts_var": ts_var}

def reference(user_idx, timestamp, user_table, ts_table, boundaries, ts_mean, ts_var):
    # user_embedding: StringLookup (pre-applied -> user_idx) + Embedding gather
    user_emb = jnp.take(user_table, user_idx, axis=0)
    # timestamp_embedding: Discretization (bucketize: boundaries[i-1] <= x < boundaries[i]) + Embedding gather
    bucket_idx = jnp.searchsorted(boundaries, timestamp, side='right')
    ts_emb = jnp.take(ts_table, bucket_idx, axis=0)
    # normalized_timestamp: Normalization layer (x - mean) / sqrt(var)
    norm_ts = ((timestamp - ts_mean) / jnp.sqrt(ts_var))[:, None]
    return jnp.concatenate([user_emb, ts_emb, norm_ts], axis=1)

if __name__ == "__main__":
    import jax
    _d = setup_inputs()
    print(jax.jit(kernel)(*tuple(_d.values())))

</pallas_src>

<mosaic_0001>
#map = affine_map<(d0, d1) -> (0)>
#map1 = affine_map<(d0, d1) -> (0, 0)>
module attributes {stable_mosaic.version = 14 : i64} {
  func.func @_sc_body(%arg0: i32, %arg1: i32, %arg2: memref<16384xi32, #tpu.memory_space<hbm>>, %arg3: memref<1000001x32xf32, #tpu.memory_space<hbm>>, %arg4: memref<16384x32xf32, #tpu.memory_space<hbm>>, %arg5: memref<512xi32, #tpu.memory_space<vmem>>, %arg6: memref<512x32xf32, #tpu.memory_space<vmem>>, %arg7: memref<!tpu.dma_semaphore, #tpu.memory_space<semaphore_mem>>, %arg8: memref<!tpu.dma_semaphore, #tpu.memory_space<semaphore_mem>>) attributes {dimension_semantics = [#tpu.dimension_semantics<core_parallel>, #tpu.dimension_semantics<subcore_parallel>], iteration_bounds = array<i64: 2, 16>, scalar_prefetch = 0 : i64, scratch_operands = 4 : i64, tpu.core_type = #tpu.core_type<sc_vector_subcore>, window_params = [{transform_indices = #map}, {transform_indices = #map1}, {transform_indices = #map1}]} {
    %mul3A = arith.constant 2 : i32
    %mul3A_0 = arith.muli %arg1, %mul3A : i32
    %add3A = arith.addi %mul3A_0, %arg0 : i32
    %mul3A_1 = arith.constant 512 : i32
    %mul3A_2 = arith.muli %add3A, %mul3A_1 : i32
    "tpu.region"() ({
      %run_scoped3A = tpu.sem_alloc : memref<!tpu.dma_semaphore, #tpu.memory_space<semaphore_mem>>
      %dma_start3A_73 = tpu.memref_slice %arg2[%mul3A_2] : memref<16384xi32, #tpu.memory_space<hbm>> -> memref<512xi32, #tpu.memory_space<hbm>>
      %dma_start3A_74 = tpu.memref_slice %arg2[%mul3A_2] : memref<16384xi32, #tpu.memory_space<hbm>> -> memref<512xi32, #tpu.memory_space<hbm>>
      tpu.enqueue_dma source(%dma_start3A_74 : memref<512xi32, #tpu.memory_space<hbm>>) target(%arg5 : memref<512xi32, #tpu.memory_space<vmem>>) target_semaphore(%run_scoped3A : memref<!tpu.dma_semaphore, #tpu.memory_space<semaphore_mem>>)
      %dma_wait3A_75 = tpu.memref_slice %arg2[%mul3A_2] : memref<16384xi32, #tpu.memory_space<hbm>> -> memref<512xi32, #tpu.memory_space<hbm>>
      %dma_wait3A_76 = tpu.memref_slice %arg2[%mul3A_2] : memref<16384xi32, #tpu.memory_space<hbm>> -> memref<512xi32, #tpu.memory_space<hbm>>
      tpu.wait_dma2 semaphore(%run_scoped3A : memref<!tpu.dma_semaphore, #tpu.memory_space<semaphore_mem>>) src(%dma_wait3A_76 : memref<512xi32, #tpu.memory_space<hbm>>) dst(%arg5 : memref<512xi32, #tpu.memory_space<vmem>>)
      tpu.yield
    }) : () -> ()
    %dma_start3A = arith.constant 0 : i32
    %dma_start3A_3 = arith.constant 0 : i32
    %dma_start3A_4 = tpu.memref_slice %arg6[%dma_start3A, %dma_start3A_3] : memref<512x32xf32, #tpu.memory_space<vmem>> -> memref<128x32xf32, #tpu.memory_space<vmem>>
    %dma_start3A_5 = arith.constant 0 : i32
    %dma_start3A_6 = tpu.memref_slice %arg5[%dma_start3A_5] : memref<512xi32, #tpu.memory_space<vmem>> -> memref<128xi32, #tpu.memory_space<vmem>>
    %dma_start3A_7 = arith.constant 0 : i32
    %dma_start3A_8 = arith.constant 0 : i32
    %dma_start3A_9 = tpu.memref_slice %arg3[%dma_start3A_7, %dma_start3A_8] : memref<1000001x32xf32, #tpu.memory_space<hbm>> -> memref<1000001x32xf32, #tpu.memory_space<hbm>>
    tpu.enqueue_indirect_dma source(%dma_start3A_9 : memref<1000001x32xf32, #tpu.memory_space<hbm>>) target(%dma_start3A_4 : memref<128x32xf32, #tpu.memory_space<vmem>>) offsets(%dma_start3A_6 : memref<128xi32, #tpu.memory_space<vmem>>) semaphore(%arg7 : memref<!tpu.dma_semaphore, #tpu.memory_space<semaphore_mem>>)
    %dma_start3A_10 = arith.constant 128 : i32
    %dma_start3A_11 = arith.constant 0 : i32
    %dma_start3A_12 = tpu.memref_slice %arg6[%dma_start3A_10, %dma_start3A_11] : memref<512x32xf32, #tpu.memory_space<vmem>> -> memref<128x32xf32, #tpu.memory_space<vmem>>
    %dma_start3A_13 = arith.constant 128 : i32
    %dma_start3A_14 = tpu.memref_slice %arg5[%dma_start3A_13] : memref<512xi32, #tpu.memory_space<vmem>> -> memref<128xi32, #tpu.memory_space<vmem>>
    %dma_start3A_15 = arith.constant 0 : i32
    %dma_start3A_16 = arith.constant 0 : i32
    %dma_start3A_17 = tpu.memref_slice %arg3[%dma_start3A_15, %dma_start3A_16] : memref<1000001x32xf32, #tpu.memory_space<hbm>> -> memref<1000001x32xf32, #tpu.memory_space<hbm>>
    tpu.enqueue_indirect_dma source(%dma_start3A_17 : memref<1000001x32xf32, #tpu.memory_space<hbm>>) target(%dma_start3A_12 : memref<128x32xf32, #tpu.memory_space<vmem>>) offsets(%dma_start3A_14 : memref<128xi32, #tpu.memory_space<vmem>>) semaphore(%arg7 : memref<!tpu.dma_semaphore, #tpu.memory_space<semaphore_mem>>)
    %dma_start3A_18 = arith.constant 256 : i32
    %dma_start3A_19 = arith.constant 0 : i32
    %dma_start3A_20 = tpu.memref_slice %arg6[%dma_start3A_18, %dma_start3A_19] : memref<512x32xf32, #tpu.memory_space<vmem>> -> memref<128x32xf32, #tpu.memory_space<vmem>>
    %dma_start3A_21 = arith.constant 256 : i32
    %dma_start3A_22 = tpu.memref_slice %arg5[%dma_start3A_21] : memref<512xi32, #tpu.memory_space<vmem>> -> memref<128xi32, #tpu.memory_space<vmem>>
    %dma_start3A_23 = arith.constant 0 : i32
    %dma_start3A_24 = arith.constant 0 : i32
    %dma_start3A_25 = tpu.memref_slice %arg3[%dma_start3A_23, %dma_start3A_24] : memref<1000001x32xf32, #tpu.memory_space<hbm>> -> memref<1000001x32xf32, #tpu.memory_space<hbm>>
    tpu.enqueue_indirect_dma source(%dma_start3A_25 : memref<1000001x32xf32, #tpu.memory_space<hbm>>) target(%dma_start3A_20 : memref<128x32xf32, #tpu.memory_space<vmem>>) offsets(%dma_start3A_22 : memref<128xi32, #tpu.memory_space<vmem>>) semaphore(%arg7 : memref<!tpu.dma_semaphore, #tpu.memory_space<semaphore_mem>>)
    %dma_start3A_26 = arith.constant 384 : i32
    %dma_start3A_27 = arith.constant 0 : i32
    %dma_start3A_28 = tpu.memref_slice %arg6[%dma_start3A_26, %dma_start3A_27] : memref<512x32xf32, #tpu.memory_space<vmem>> -> memref<128x32xf32, #tpu.memory_space<vmem>>
    %dma_start3A_29 = arith.constant 384 : i32
    %dma_start3A_30 = tpu.memref_slice %arg5[%dma_start3A_29] : memref<512xi32, #tpu.memory_space<vmem>> -> memref<128xi32, #tpu.memory_space<vmem>>
    %dma_start3A_31 = arith.constant 0 : i32
    %dma_start3A_32 = arith.constant 0 : i32
    %dma_start3A_33 = tpu.memref_slice %arg3[%dma_start3A_31, %dma_start3A_32] : memref<1000001x32xf32, #tpu.memory_space<hbm>> -> memref<1000001x32xf32, #tpu.memory_space<hbm>>
    tpu.enqueue_indirect_dma source(%dma_start3A_33 : memref<1000001x32xf32, #tpu.memory_space<hbm>>) target(%dma_start3A_28 : memref<128x32xf32, #tpu.memory_space<vmem>>) offsets(%dma_start3A_30 : memref<128xi32, #tpu.memory_space<vmem>>) semaphore(%arg7 : memref<!tpu.dma_semaphore, #tpu.memory_space<semaphore_mem>>)
    %dma_wait3A = arith.constant 0 : i32
    %dma_wait3A_34 = arith.constant 0 : i32
    %dma_wait3A_35 = tpu.memref_slice %arg6[%dma_wait3A, %dma_wait3A_34] : memref<512x32xf32, #tpu.memory_space<vmem>> -> memref<128x32xf32, #tpu.memory_space<vmem>>
    %dma_wait3A_36 = arith.constant 0 : i32
    %dma_wait3A_37 = tpu.memref_slice %arg5[%dma_wait3A_36] : memref<512xi32, #tpu.memory_space<vmem>> -> memref<128xi32, #tpu.memory_space<vmem>>
    %dma_wait3A_38 = arith.constant 0 : i32
    %dma_wait3A_39 = arith.constant 0 : i32
    %dma_wait3A_40 = tpu.memref_slice %arg3[%dma_wait3A_38, %dma_wait3A_39] : memref<1000001x32xf32, #tpu.memory_space<hbm>> -> memref<1000001x32xf32, #tpu.memory_space<hbm>>
    tpu.wait_indirect_dma semaphore(%arg7 : memref<!tpu.dma_semaphore, #tpu.memory_space<semaphore_mem>>) src(%dma_wait3A_40 : memref<1000001x32xf32, #tpu.memory_space<hbm>>) dst(%dma_wait3A_35 : memref<128x32xf32, #tpu.memory_space<vmem>>)
    %dma_wait3A_41 = arith.constant 128 : i32
    %dma_wait3A_42 = arith.constant 0 : i32
    %dma_wait3A_43 = tpu.memref_slice %arg6[%dma_wait3A_41, %dma_wait3A_42] : memref<512x32xf32, #tpu.memory_space<vmem>> -> memref<128x32xf32, #tpu.memory_space<vmem>>
    %dma_wait3A_44 = arith.constant 128 : i32
    %dma_wait3A_45 = tpu.memref_slice %arg5[%dma_wait3A_44] : memref<512xi32, #tpu.memory_space<vmem>> -> memref<128xi32, #tpu.memory_space<vmem>>
    %dma_wait3A_46 = arith.constant 0 : i32
    %dma_wait3A_47 = arith.constant 0 : i32
    %dma_wait3A_48 = tpu.memref_slice %arg3[%dma_wait3A_46, %dma_wait3A_47] : memref<1000001x32xf32, #tpu.memory_space<hbm>> -> memref<1000001x32xf32, #tpu.memory_space<hbm>>
    tpu.wait_indirect_dma semaphore(%arg7 : memref<!tpu.dma_semaphore, #tpu.memory_space<semaphore_mem>>) src(%dma_wait3A_48 : memref<1000001x32xf32, #tpu.memory_space<hbm>>) dst(%dma_wait3A_43 : memref<128x32xf32, #tpu.memory_space<vmem>>)
    %dma_wait3A_49 = arith.constant 256 : i32
    %dma_wait3A_50 = arith.constant 0 : i32
    %dma_wait3A_51 = tpu.memref_slice %arg6[%dma_wait3A_49, %dma_wait3A_50] : memref<512x32xf32, #tpu.memory_space<vmem>> -> memref<128x32xf32, #tpu.memory_space<vmem>>
    %dma_wait3A_52 = arith.constant 256 : i32
    %dma_wait3A_53 = tpu.memref_slice %arg5[%dma_wait3A_52] : memref<512xi32, #tpu.memory_space<vmem>> -> memref<128xi32, #tpu.memory_space<vmem>>
    %dma_wait3A_54 = arith.constant 0 : i32
    %dma_wait3A_55 = arith.constant 0 : i32
    %dma_wait3A_56 = tpu.memref_slice %arg3[%dma_wait3A_54, %dma_wait3A_55] : memref<1000001x32xf32, #tpu.memory_space<hbm>> -> memref<1000001x32xf32, #tpu.memory_space<hbm>>
    tpu.wait_indirect_dma semaphore(%arg7 : memref<!tpu.dma_semaphore, #tpu.memory_space<semaphore_mem>>) src(%dma_wait3A_56 : memref<1000001x32xf32, #tpu.memory_space<hbm>>) dst(%dma_wait3A_51 : memref<128x32xf32, #tpu.memory_space<vmem>>)
    %dma_wait3A_57 = arith.constant 384 : i32
    %dma_wait3A_58 = arith.constant 0 : i32
    %dma_wait3A_59 = tpu.memref_slice %arg6[%dma_wait3A_57, %dma_wait3A_58] : memref<512x32xf32, #tpu.memory_space<vmem>> -> memref<128x32xf32, #tpu.memory_space<vmem>>
    %dma_wait3A_60 = arith.constant 384 : i32
    %dma_wait3A_61 = tpu.memref_slice %arg5[%dma_wait3A_60] : memref<512xi32, #tpu.memory_space<vmem>> -> memref<128xi32, #tpu.memory_space<vmem>>
    %dma_wait3A_62 = arith.constant 0 : i32
    %dma_wait3A_63 = arith.constant 0 : i32
    %dma_wait3A_64 = tpu.memref_slice %arg3[%dma_wait3A_62, %dma_wait3A_63] : memref<1000001x32xf32, #tpu.memory_space<hbm>> -> memref<1000001x32xf32, #tpu.memory_space<hbm>>
    tpu.wait_indirect_dma semaphore(%arg7 : memref<!tpu.dma_semaphore, #tpu.memory_space<semaphore_mem>>) src(%dma_wait3A_64 : memref<1000001x32xf32, #tpu.memory_space<hbm>>) dst(%dma_wait3A_59 : memref<128x32xf32, #tpu.memory_space<vmem>>)
    %dma_start3A_65 = arith.constant 0 : i32
    %dma_start3A_66 = tpu.memref_slice %arg4[%mul3A_2, %dma_start3A_65] : memref<16384x32xf32, #tpu.memory_space<hbm>> -> memref<512x32xf32, #tpu.memory_space<hbm>>
    %dma_start3A_67 = arith.constant 0 : i32
    %dma_start3A_68 = tpu.memref_slice %arg4[%mul3A_2, %dma_start3A_67] : memref<16384x32xf32, #tpu.memory_space<hbm>> -> memref<512x32xf32, #tpu.memory_space<hbm>>
    tpu.enqueue_dma source(%arg6 : memref<512x32xf32, #tpu.memory_space<vmem>>) target(%dma_start3A_68 : memref<512x32xf32, #tpu.memory_space<hbm>>) target_semaphore(%arg8 : memref<!tpu.dma_semaphore, #tpu.memory_space<semaphore_mem>>)
    %dma_wait3A_69 = arith.constant 0 : i32
    %dma_wait3A_70 = tpu.memref_slice %arg4[%mul3A_2, %dma_wait3A_69] : memref<16384x32xf32, #tpu.memory_space<hbm>> -> memref<512x32xf32, #tpu.memory_space<hbm>>
    %dma_wait3A_71 = arith.constant 0 : i32
    %dma_wait3A_72 = tpu.memref_slice %arg4[%mul3A_2, %dma_wait3A_71] : memref<16384x32xf32, #tpu.memory_space<hbm>> -> memref<512x32xf32, #tpu.memory_space<hbm>>
    tpu.wait_dma2 semaphore(%arg8 : memref<!tpu.dma_semaphore, #tpu.memory_space<semaphore_mem>>) src(%arg6 : memref<512x32xf32, #tpu.memory_space<vmem>>) dst(%dma_wait3A_72 : memref<512x32xf32, #tpu.memory_space<hbm>>)
    return
  }
}

module attributes {stable_mosaic.version = 14 : i64} {
  func.func @_ts_body(%arg0: i32, %arg1: memref<2048x1xf32, #tpu.memory_space<vmem>>, %arg2: memref<1x1024xf32, #tpu.memory_space<vmem>>, %arg3: memref<1x1024xf32, #tpu.memory_space<vmem>>, %arg4: memref<1024x32xf32, #tpu.memory_space<vmem>>, %arg5: memref<1x1xf32, #tpu.memory_space<vmem>>, %arg6: memref<1x1xf32, #tpu.memory_space<vmem>>, %arg7: memref<2048x32xf32, #tpu.memory_space<vmem>>, %arg8: memref<2048x1xf32, #tpu.memory_space<vmem>>) attributes {dimension_semantics = [#tpu.dimension_semantics<parallel>], iteration_bounds = array<i64: 8>, scalar_prefetch = 0 : i64, scratch_operands = 0 : i64, tpu.core_type = #tpu.core_type<tc>, window_params = [{transform_indices = @transform_0, window_bounds = array<i64: 2048, 1>}, {pipeline_mode = #tpu.pipeline_mode<synchronous>, transform_indices = @transform_1, window_bounds = array<i64: 1, 1024>}, {pipeline_mode = #tpu.pipeline_mode<synchronous>, transform_indices = @transform_2, window_bounds = array<i64: 1, 1024>}, {pipeline_mode = #tpu.pipeline_mode<synchronous>, transform_indices = @transform_3, window_bounds = array<i64: 1024, 32>}, {pipeline_mode = #tpu.pipeline_mode<synchronous>, transform_indices = @transform_4, window_bounds = array<i64: 1, 1>}, {pipeline_mode = #tpu.pipeline_mode<synchronous>, transform_indices = @transform_5, window_bounds = array<i64: 1, 1>}, {transform_indices = @transform_6, window_bounds = array<i64: 2048, 32>}, {transform_indices = @transform_7, window_bounds = array<i64: 2048, 1>}]} {
    %get3A = arith.constant 0 : index
    %get3A_0 = arith.constant 0 : index
    %get3A_1 = vector.load %arg1[%get3A, %get3A_0] : memref<2048x1xf32, #tpu.memory_space<vmem>>, vector<2048x1xf32>
    %get3A_2 = arith.constant 0 : index
    %get3A_3 = arith.constant 0 : index
    %get3A_4 = vector.load %arg2[%get3A_2, %get3A_3] : memref<1x1024xf32, #tpu.memory_space<vmem>>, vector<1x1024xf32>
    %le3A = vector.broadcast %get3A_4 : vector<1x1024xf32> to vector<2048x1024xf32>
    %le3A_5 = vector.broadcast %get3A_1 : vector<2048x1xf32> to vector<2048x1024xf32>
    %le3A_6 = arith.cmpf ole, %le3A, %le3A_5 : vector<2048x1024xf32>
    %convert_element_type3A = arith.extui %le3A_6 : vector<2048x1024xi1> to vector<2048x1024xi32>
    %convert_element_type3A_7 = arith.sitofp %convert_element_type3A : vector<2048x1024xi32> to vector<2048x1024xf32>
    %get3A_8 = arith.constant 0 : index
    %get3A_9 = arith.constant 0 : index
    %get3A_10 = vector.load %arg3[%get3A_8, %get3A_9] : memref<1x1024xf32, #tpu.memory_space<vmem>>, vector<1x1024xf32>
    %le3A_11 = vector.broadcast %get3A_10 : vector<1x1024xf32> to vector<2048x1024xf32>
    %le3A_12 = vector.broadcast %get3A_1 : vector<2048x1xf32> to vector<2048x1024xf32>
    %le3A_13 = arith.cmpf ole, %le3A_11, %le3A_12 : vector<2048x1024xf32>
    %convert_element_type3A_14 = arith.extui %le3A_13 : vector<2048x1024xi1> to vector<2048x1024xi32>
    %convert_element_type3A_15 = arith.sitofp %convert_element_type3A_14 : vector<2048x1024xi32> to vector<2048x1024xf32>
    %sub3A = arith.subf %convert_element_type3A_7, %convert_element_type3A_15 : vector<2048x1024xf32>
    %get3A_16 = arith.constant 0 : index
    %get3A_17 = arith.constant 0 : index
    %get3A_18 = vector.load %arg4[%get3A_16, %get3A_17] : memref<1024x32xf32, #tpu.memory_space<vmem>>, vector<1024x32xf32>
    %dot_general3A = arith.constant dense<0.000000e+00> : vector<2048x32xf32>
    %dot_general3A_19 = tpu.matmul %sub3A, %get3A_18, %dot_general3A {dimension_numbers = #tpu.dot_dimension_numbers<[1], [0], [0], [1], [0, 0, 1, 1], [], []>, precision = #tpu.contract_precision<fp32>, transpose_lhs_hint = false} : vector<2048x1024xf32>, vector<1024x32xf32>, vector<2048x32xf32> -> vector<2048x32xf32>
    %swap3A = arith.constant 0 : index
    %swap3A_20 = arith.constant 0 : index
    %swap3A_21 = vector.load %arg7[%swap3A, %swap3A_20] : memref<2048x32xf32, #tpu.memory_space<vmem>>, vector<2048x32xf32>
    tpu.vector_store %arg7[%swap3A, %swap3A_20], %dot_general3A_19 {strides = array<i32>} : memref<2048x32xf32, #tpu.memory_space<vmem>>, vector<2048x32xf32>,
    %get3A_22 = arith.constant 0 : index
    %get3A_23 = arith.constant 0 : index
    %get3A_24 = vector.load %arg5[%get3A_22, %get3A_23] : memref<1x1xf32, #tpu.memory_space<vmem>>, vector<1x1xf32>
    %get3A_25 = vector.extract %get3A_24[0, 0] : f32 from vector<1x1xf32>
    %sub3A_26 = vector.broadcast %get3A_25 : f32 to vector<2048x1xf32>
    %sub3A_27 = arith.subf %get3A_1, %sub3A_26 : vector<2048x1xf32>
    %get3A_28 = arith.constant 0 : index
    %get3A_29 = arith.constant 0 : index
    %get3A_30 = vector.load %arg6[%get3A_28, %get3A_29] : memref<1x1xf32, #tpu.memory_space<vmem>>, vector<1x1xf32>
    %get3A_31 = vector.extract %get3A_30[0, 0] : f32 from vector<1x1xf32>
    %div3A = vector.broadcast %get3A_31 : f32 to vector<2048x1xf32>
    %div3A_32 = arith.divf %sub3A_27, %div3A : vector<2048x1xf32>
    %swap3A_33 = arith.constant 0 : index
    %swap3A_34 = arith.constant 0 : index
    %swap3A_35 = vector.load %arg8[%swap3A_33, %swap3A_34] : memref<2048x1xf32, #tpu.memory_space<vmem>>, vector<2048x1xf32>
    tpu.vector_store %arg8[%swap3A_33, %swap3A_34], %div3A_32 {strides = array<i32>} : memref<2048x1xf32, #tpu.memory_space<vmem>>, vector<2048x1xf32>,
    return
  }
  func.func @transform_0(%arg0: i32) -> (i32, i32) {
    %c0_i32 = arith.constant 0 : i32
    %c0_i32_0 = arith.constant 0 : i32
    return %arg0, %c0_i32 : i32, i32
  }
  func.func @transform_1(%arg0: i32) -> (i32, i32) {
    %c0_i32 = arith.constant 0 : i32
    %c0_i32_0 = arith.constant 0 : i32
    %c0_i32_1 = arith.constant 0 : i32
    return %c0_i32, %c0_i32_0 : i32, i32
  }
  func.func @transform_2(%arg0: i32) -> (i32, i32) {
    %c0_i32 = arith.constant 0 : i32
    %c0_i32_0 = arith.constant 0 : i32
    %c0_i32_1 = arith.constant 0 : i32
    return %c0_i32, %c0_i32_0 : i32, i32
  }
  func.func @transform_3(%arg0: i32) -> (i32, i32) {
    %c0_i32 = arith.constant 0 : i32
    %c0_i32_0 = arith.constant 0 : i32
    %c0_i32_1 = arith.constant 0 : i32
    return %c0_i32, %c0_i32_0 : i32, i32
  }
  func.func @transform_4(%arg0: i32) -> (i32, i32) {
    %c0_i32 = arith.constant 0 : i32
    %c0_i32_0 = arith.constant 0 : i32
    %c0_i32_1 = arith.constant 0 : i32
    return %c0_i32, %c0_i32_0 : i32, i32
  }
  func.func @transform_5(%arg0: i32) -> (i32, i32) {
    %c0_i32 = arith.constant 0 : i32
    %c0_i32_0 = arith.constant 0 : i32
    %c0_i32_1 = arith.constant 0 : i32
    return %c0_i32, %c0_i32_0 : i32, i32
  }
  func.func @transform_6(%arg0: i32) -> (i32, i32) {
    %c0_i32 = arith.constant 0 : i32
    %c0_i32_0 = arith.constant 0 : i32
    return %arg0, %c0_i32 : i32, i32
  }
  func.func @transform_7(%arg0: i32) -> (i32, i32) {
    %c0_i32 = arith.constant 0 : i32
    %c0_i32_0 = arith.constant 0 : i32
    return %arg0, %c0_i32 : i32, i32
  }
}

</mosaic_0001>

<sc_bundles>
// kernel: kernel.4.cloned.1.call-start
scs
__scs_entry_jumppad:
0x0: {  	(pc) =	sbr.rel $0x88, $3  }
0x1: {  	(tag) =	ssettag $0x0;
	lr =	simm.s32 $0x1  }
0x2: {  	[smem:$0x3F9A] =	sst lr;
	_ =	strace $0xD0000000  }
0x3: {  	_ = 	snop  }
0x4: {  	_ = 	snop  }
0x5: {  	_ = 	snop  }
0x6: {  	_ = 	snop  }
0x7: {  	_ = 	snop  }
__scs_overlays_trampoline_lowered:
0x8: {  	[smem:$0x3FA9] =	sst s0  }
0x9: {  	[smem:$0x3FAA] =	sst s1  }
0xa: {  	[smem:$0x3FAB] =	sst s2  }
0xb: {  	[smem:$0x3FAC] =	sst s3  }
0xc: {  	[smem:$0x3FAD] =	sst s4  }
0xd: {  	[smem:$0x3FAE] =	sst s5  }
0xe: {  	[smem:$0x3FAF] =	sst s6  }
0xf: {  	[smem:$0x3FB0] =	sst s7  }
0x10: {  	[smem:$0x3FB1] =	sst s8  }
0x11: {  	[smem:$0x3FB2] =	sst s9;
	s0 =	simm.s32 @!p0 $0x0  }
0x12: {  	s1 =	sld [smem:$0x3F98];
	s0 =	simm.s32 @p0 $0x1  }
0x13: {  	[smem:$0x3FB3] =	sst s0;
	s0 =	simm.s32 @!p1 $0x0  }
0x14: {  	s2 =	sld [smem:$0x3F97];
	s0 =	simm.s32 @p1 $0x1  }
0x15: {  	[smem:$0x3FB4] =	sst s0;
	s0 =	simm.s32 @!p2 $0x0  }
0x16: {  	s3 =	sld [smem:$0x3FDB];
	s0 =	simm.s32 @p2 $0x1  }
0x17: {  	s4 =	simm.s32 $0x1BF5;
	[smem:$0x3FB6] =	sst s0  }
0x18: {  	s0 =	sld [smem:$0x3F99];
	_ =	swait.ge [sflag:s4], $0x0  }
0x19: {  	s7 =	sld [smem:$0x3F9A]  }
0x1a: {  	s8 =	sadd.s32 $0xFFFFE003, lr  }
0x1b: {  	s9 =	sadd.s32 $0xFFFFFEF7, lr;
	s5 =	simm.s32 $0xFFFFFFFF;
	p2 =	slt.u32 s8, $0xFFFFF086  }
0x1c: {  	p1 =	slt.u32 s9, $0xF7A;
	s5 =	simm.s32 @!p2 $0x0  }
0x1d: {  	s5 =	simm.s32 @p1 $0x1;
	p0 =	seq.s32 s7, s2  }
0x1e: {  	s7 =	smul.u32 @!p0 $0xF7A, s2;
	p2 =	seq.s32 @!p0 s5, $0x0  }
0x1f: {  	s9 =	smul.u32 $0xF7A, s1;
	s8 =	simm.s32 @!p0 $0x1BF5;
	p2 =	por !p2, p0  }
0x20: {  	[sflag:s8] =	ssyncset.s32 @!p0 $0xFFFFF086;
	s6 =	sadd.s32 @!p0 s3, s7;
	s7 =	simm.s32 @!p0 $0x108  }
0x21: {  	s3 =	sadd.s32 s3, s9;
	s6 =	sadd.s32 @!p0 $0x88, s6;
	s7 =	simm.s32 @p2 $0x1082  }
0x22: {  	[simem:s7], [sflag:s8] =	dma.local @!p0 [hbm:s6], $0xF7A  }
0x23: {  	s9 =	sor.u32 $0xD0000000, s2;
	s6 =	simm.s32 $0x108;
	_ =	swait.ge @!p0 [sflag:s8], $0x0  }
0x24: {  	s3 =	sadd.s32 $0x88, s3;
	s6 =	simm.s32 @!p1 $0x1082;
	[sflag:s4] =	ssyncset.s32 $0xFFFFF086  }
0x25: {  	[simem:s6], [sflag:s4] =	dma.local [hbm:s3], $0xF7A  }
0x26: {  	[smem:$0x3F9A] =	sst s1;
	(tag) =	ssettag s2;
	_ =	strace s9  }
0x27: {  	s1 =	sld [smem:$0x3FAA]  }
0x28: {  	s2 =	sld [smem:$0x3FAB]  }
0x29: {  	s4 =	sld [smem:$0x3FAD]  }
0x2a: {  	p0 =	seq.s32 s5, $0x0;
	s5 =	sld [smem:$0x3FAE]  }
0x2b: {  	s6 =	sld [smem:$0x3FAF]  }
0x2c: {  	s7 =	sld [smem:$0x3FB0]  }
0x2d: {  	s3 =	simm.s32 $0x108;
	s8 =	sld [smem:$0x3FB1]  }
0x2e: {  	s3 =	simm.s32 @!p0 $0x1082;
	s9 =	sld [smem:$0x3FB2]  }
0x2f: {  	lr =	sadd.s32 s0, s3;
	s0 =	sld [smem:$0x3FA9]  }
0x30: {  	s3 =	sld [smem:$0x3FAC]  }
0x31: {  	[smem:$0x3FB5] =	sst s10  }
0x32: {  	s10 =	sld [smem:$0x3FB3];
	_ =	sdelay $0x3  }
0x33: {  	p0 =	seq.s32 s10, $0x1;
	s10 =	sld [smem:$0x3FB5];
	_ =	sdelay $0x3  }
0x34: {  	[smem:$0x3FB5] =	sst s10  }
0x35: {  	s10 =	sld [smem:$0x3FB4];
	_ =	sdelay $0x3  }
0x36: {  	p1 =	seq.s32 s10, $0x1;
	s10 =	sld [smem:$0x3FB5];
	_ =	sdelay $0x3  }
0x37: {  	[smem:$0x3FB5] =	sst s10  }
0x38: {  	s10 =	sld [smem:$0x3FB6]  }
0x39: {  	_ = 	snop;
	(pc) =	sbr.ind lr, $3  }
0x3a: {  	_ = 	snop  }
0x3b: {  	_ = 	snop  }
0x3c: {  	p2 =	seq.s32 s10, $0x1;
	s10 =	sld [smem:$0x3FB5]  }
0x3d: {  	_ =	shalt  }
0x3e: {  	_ =	shalt  }
0x3f: {  	_ =	shalt  }
0x40: {  	_ =	shalt  }
0x41: {  	_ =	shalt  }
0x42: {  	_ =	shalt  }
0x43: {  	_ =	shalt  }
0x44: {  	_ =	shalt  }
0x45: {  	_ =	shalt  }
0x46: {  	_ =	shalt  }
0x47: {  	_ =	shalt  }
0x48: {  	_ =	shalt  }
0x49: {  	_ =	shalt  }
0x4a: {  	_ =	shalt  }
0x4b: {  	_ =	shalt  }
0x4c: {  	_ =	shalt  }
0x4d: {  	_ =	shalt  }
0x4e: {  	_ =	shalt  }
0x4f: {  	_ =	shalt  }
0x50: {  	_ =	shalt  }
0x51: {  	_ =	shalt  }
0x52: {  	_ =	shalt  }
0x53: {  	_ =	shalt  }
0x54: {  	_ =	shalt  }
0x55: {  	_ =	shalt  }
0x56: {  	_ =	shalt  }
0x57: {  	_ =	shalt  }
0x58: {  	_ =	shalt  }
0x59: {  	_ =	shalt  }
0x5a: {  	_ =	shalt  }
0x5b: {  	_ =	shalt  }
0x5c: {  	_ =	shalt  }
0x5d: {  	_ =	shalt  }
0x5e: {  	_ =	shalt  }
0x5f: {  	_ =	shalt  }
0x60: {  	_ =	shalt  }
0x61: {  	_ =	shalt  }
0x62: {  	_ =	shalt  }
0x63: {  	_ =	shalt  }
0x64: {  	_ =	shalt  }
0x65: {  	_ =	shalt  }
0x66: {  	_ =	shalt  }
0x67: {  	_ =	shalt  }
0x68: {  	_ =	shalt  }
0x69: {  	_ =	shalt  }
0x6a: {  	_ =	shalt  }
0x6b: {  	_ =	shalt  }
0x6c: {  	_ =	shalt  }
0x6d: {  	_ =	shalt  }
0x6e: {  	_ =	shalt  }
0x6f: {  	_ =	shalt  }
0x70: {  	_ =	shalt  }
0x71: {  	_ =	shalt  }
0x72: {  	_ =	shalt  }
0x73: {  	_ =	shalt  }
0x74: {  	_ =	shalt  }
0x75: {  	_ =	shalt  }
0x76: {  	_ =	shalt  }
0x77: {  	_ =	shalt  }
0x78: {  	_ =	shalt  }
0x79: {  	_ =	shalt  }
0x7a: {  	_ =	shalt  }
0x7b: {  	_ =	shalt  }
0x7c: {  	_ =	shalt  }
0x7d: {  	_ =	shalt  }
0x7e: {  	_ =	shalt  }
0x7f: {  	_ =	shalt  }
0x80: {  	_ =	shalt  }
0x81: {  	_ =	shalt  }
0x82: {  	_ =	shalt  }
0x83: {  	_ =	shalt  }
0x84: {  	_ =	shalt  }
0x85: {  	_ =	shalt  }
0x86: {  	_ =	shalt  }
0x87: {  	_ =	shalt  }
.Lfunc_end0:
.L_simem_size_0:
called_computation_lowered:
.L_overlay_start_0:
0x88: {  	s2 =	sld [smem:$0x3FD9]  }
0x89: {  	s3 =	sld [smem:$0x3FFE];
	_ =	sdelay $0x1  }
0x8a: {  	s1 =	srdreg.scid  }
0x8b: {  	s0 =	sand.u32 $0x1, s1  }
0x8c: {  	s17 =	sshll.u32 s0, $0xA;
	s2 =	sadd.s32 s3, s2  }
0x8d: {  	s2 =	sadd.s32 s2, s17  }
0x8e: {  	[smem:$0x3FC1] =	sst s2  }
0x8f: {  	_ = 	snop  }
0x90: {  	s2 =	sld [smem:$0x3FC9]  }
0x91: {  	s18 =	sld [smem:$0x3FD0];
	(tm) =	ssettm $0x1  }
0x92: {  	s4 =	sld [smem:$0x3FFB];
	_ =	sdelay $0x3  }
0x93: {  	_ =	strace s4  }
0x94: {  	s4 =	sld [smem:$0x3FFC];
	_ =	sdelay $0x3  }
0x95: {  	_ =	strace s4  }
0x96: {  	s4 =	sld [smem:$0x3FFD];
	_ =	sdelay $0x3  }
0x97: {  	_ =	strace s4  }
0x98: {  	_ =	strace $0x8FFFFFFF  }
0x99: {  	s19 =	sld [smem:$0x3FDB];
	_ =	sdelay $0x1  }
0x9a: {  	s5 =	simm.s32 $_scs_section_size  }
0x9b: {  	s6 =	simm.s32 $_size__tile_overlayer_lowered;
	s7 =	simm.s32 $_tile_overlayer_lowered  }
0x9c: {  	s22 =	simm.s32 $0x1BFF;
	s21 =	sshll.u32 s7, $0x1;
	s4 =	sadd.s32 s5, s19  }
0x9d: {  	s8 =	simm.s32 $0x0;
	s20 =	sshll.u32 s6, $0x1;
	s6 =	sadd.s32 s21, s4  }
0x9e: {  	[timem:s8], [sflag:s22] =	dma.local [hbm:s6], s20  }
0x9f: {  	_ =	swait.ge [sflag:s22], s20  }
0xa0: {  	s5 =	ssub.s32 $0x0, s20;
	[sflag:s22] =	ssyncset.done $0x0  }
0xa1: {  	[sflag:s22] =	ssyncadd.s32 s5;
	_ =	sdelay $0x1  }
0xa2: {  	s23 =	simm.s32 $0x1B8B  }
0xa3: {  	_ =	swait.ge [sflag:s23], $0x1  }
0xa4: {  	[sflag:s23] =	ssyncset.done $0x0  }
0xa5: {  	s25 =	simm.s32 $0x1B8E;
	s24 =	sld [smem:$0x3FFE];
	[sflag:s23] =	ssyncadd.s32 $0xFFFFFFFF  }
0xa6: {  	s26 =	simm.s32 $execute0_lowered;
	[smem:$0x3FD2] =	sst s25  }
0xa7: {  	s6 =	sshll.u32 s26, $0x1;
	_ =	strace $0x80000046;
	[dreg:$0x1] =	wrdreg $0xFFFFFFFF  }
0xa8: {  	s28 =	simm.s32 $_size_execute0_lowered;
	s4 =	sadd.s32 s4, s6;
	[dreg:$0x0] =	wrdreg $0x0  }
0xa9: {  	s6 =	sshll.u32 s28, $0x1;
	[dreg:$0x2] =	wrdreg s4  }
0xaa: {  	[dreg:$0x3] =	wrdreg s6  }
0xab: {  	[dreg:$0x4] =	wrdreg $0xC0  }
0xac: {  	_ =	task [dreg:s8], $0x5FFFF  }
0xad: {  	[dreg:$0x1] =	wrdreg $0xFFFFFFFF  }
0xae: {  	[dreg:$0x0] =	wrdreg $0x60  }
0xaf: {  	[dreg:$0x2] =	wrdreg s2  }
0xb0: {  	[dreg:$0x3] =	wrdreg s24  }
0xb1: {  	[dreg:$0x4] =	wrdreg s18  }
0xb2: {  	[dreg:$0x5] =	wrdreg $0x9  }
0xb3: {  	_ =	task.clear_ibuf [dreg:s8], $0x6FFFF;
	_ =	strace $0x90000046  }
0xb4: {  	s29 =	simm.s32 $0x9;
	_ =	strace $0x80000048  }
0xb5: {  	_ =	swait.ge [sflag:s29], $0x1  }
0xb6: {  	[sflag:s29] =	ssyncadd.s32 $0xFFFFFFFF  }
0xb7: {  	_ =	strace $0x90000048  }
0xb8: {  	_ =	sfence  }
0xb9: {  	s30 =	sld [smem:$0x0];
	_ =	sdelay $0x2  }
0xba: {  	s31 =	sshll.u32 s1, $0xD;
	s1 =	sshrl.u32 s1, $0x2  }
0xbb: {  	s3 =	sand.u32 $0x4000, s31;
	s1 =	sadd.s32 s1, s30  }
0xbc: {  	s0 =	sor.u32 s3, s0;
	s1 =	sshll.u32 s1, $0x11  }
0xbd: {  	s0 =	sor.u32 s1, s0  }
0xbe: {  	s0 =	sadd.s32 $0x8F2B, s0  }
0xbf: {  	[sflag:s0] =	ssyncadd.remote.s32 $0x1  }
0xc0: {  	_ =	sfence.sel $0xFFFF  }
0xc1: {  	[dreg:$0x0] =	wrdreg $0xFFFFFFFF;
	(pc) =	sbr.abs _section_cstart, $3  }
0xc2: {  	[dreg:$0x1] =	wrdreg $0xFFFFFFFF  }
0xc3: {  	_ =	task.clear_ibuf [dreg:s8], $0x2FFFF;
	_ =	strace $0x9FFFFFFF  }
0xc4: {  	(tm) =	ssettm $0x7FFFFFFF  }
0xc5: {  	_ =	shalt  }
tec
execute0_lowered:
.L_overlay_start_1:
0x0: {  	(tag) =	ssettag $0x1  }
0x1: {  	s3 =	rddreg [dreg:$0x0];
	s1 =	srdreg.scid  }
0x2: {  	s5 =	rddreg [dreg:$0x1];
	s0 =	stileid.u32;
	s14 =	sand.u32 $0x1, s1  }
0x3: {  	s15 =	rddreg [dreg:$0x2];
	s4 =	sshll.u32 s0, $0xA;
	s6 =	sshll.u32 s14, $0x9  }
0x4: {  	s2 =	simm.s32 $0x0;
	s1 =	rddreg [dreg:$0x3];
	s16 =	sor.u32 s6, s4  }
0x5: {  	[smem:$0x7FF] =	sst s2;
	s4 =	sshrl.u32 s16, $0x3  }
0x6: {  	_ =	strace $0x80000047;
	s3 =	sadd.s32 s3, s4;
	s4 =	simm.s32 $0x3  }
0x7: {  	[tilespmem:s2], [sflag:$0x3] =	stream.linear.gather [hbm4b:s3+s2], $0x200, $0x38;
	[tilespmem:$0x4200] =	vst v63  }
0x8: {  	_ =	swait.ge [sflag:s4], $0x200  }
0x9: {  	s7 =	simm.s32 $0x200;
	[sflag:s4] =	ssyncset.done $0x0  }
0xa: {  	s5 =	sadd.s32 $0xF43200, s5;
	s6 =	simm.s32 $0x80;
	[sflag:s4] =	ssyncadd.s32 $0xFFFFFE00  }
0xb: {  	[tilespmem:s7], [sflag:$0x1] =	stream.indirect.gather [hbm4b:s5+s6], $0x20, s2, s6, $0xb8;
	[tilespmem:$0x4200] =	vst v63  }
0xc: {  	s8 =	simm.s32 $0x1200  }
0xd: {  	[tilespmem:s8], [sflag:$0x1] =	stream.indirect.gather [hbm4b:s5+s6], $0x20, s6, s6, $0xb8;
	[tilespmem:$0x4200] =	vst v63  }
0xe: {  	s9 =	simm.s32 $0x100;
	s10 =	simm.s32 $0x2200  }
0xf: {  	[tilespmem:s10], [sflag:$0x1] =	stream.indirect.gather [hbm4b:s5+s6], $0x20, s9, s6, $0xb8;
	[tilespmem:$0x4200] =	vst v63  }
0x10: {  	s11 =	simm.s32 $0x180;
	s12 =	simm.s32 $0x3200;
	s13 =	simm.s32 $0x1  }
0x11: {  	[tilespmem:s12], [sflag:$0x1] =	stream.indirect.gather [hbm4b:s5+s6], $0x20, s11, s6, $0xb8;
	[tilespmem:$0x4200] =	vst v63  }
0x12: {  	_ =	swait.ge [sflag:s13], $0x1000  }
0x13: {  	[sflag:s13] =	ssyncset.done $0x0  }
0x14: {  	[sflag:s13] =	ssyncadd.s32 $0xFFFFF000  }
0x15: {  	_ =	swait.ge [sflag:s13], $0x1000  }
0x16: {  	[sflag:s13] =	ssyncset.done $0x0  }
0x17: {  	s14 =	ssub.s32 $0x2, s14;
	[sflag:s13] =	ssyncadd.s32 $0xFFFFF000  }
0x18: {  	s17 =	sshrl.u32 s14, $0x1;
	_ =	swait.ge [sflag:s13], $0x1000  }
0x19: {  	s17 =	ssub.s32 s14, s17;
	[sflag:s13] =	ssyncset.done $0x0  }
0x1a: {  	s31 =	smax.u32 s17, $0x1;
	[sflag:s13] =	ssyncadd.s32 $0xFFFFF000  }
0x1b: {  	p0 =	sne.s32 s31, $0x1;
	_ =	swait.ge [sflag:s13], $0x1000  }
.Ltmp0:
0x1c: {  	s16 =	sshll.u32 s16, $0x2;
	[sflag:s13] =	ssyncset.done $0x0;
	(pc) =	sbr.rel @!p0 .LBB2_2-.Ltmp0, $4  }
0x1d: {  	s14 =	sadd.s32 s15, s16;
	s15 =	simm.s32 $0x2;
	[sflag:s13] =	ssyncadd.s32 $0xFFFFF000  }
0x1e: {  	[hbm4b:s14+s2] =	stream.linear.scatter [tilespmem:s7], [sflag:$0x2], $0x4000, $0x38;
	[tilespmem:$0x4200] =	vst v63  }
0x1f: {  	_ =	swait.ge [sflag:s15], $0x4000  }
0x20: {  	s16 =	sadd.s32 $0xFFFFFFFF, s31;
	[sflag:s15] =	ssyncset.done $0x0  }
.LBB2_1:
0x21: {  	p0 =	sne.s32 s16, $0x1;
	s16 =	sadd.s32 $0xFFFFFFFF, s16;
	[sflag:s15] =	ssyncadd.s32 $0xFFFFC000  }
0x22: {  	[tilespmem:s2], [sflag:$0x3] =	stream.linear.gather [hbm4b:s3+s2], $0x200, $0x38;
	[tilespmem:$0x4200] =	vst v63  }
0x23: {  	_ =	swait.ge [sflag:s4], $0x200  }
0x24: {  	[sflag:s4] =	ssyncset.done $0x0  }
0x25: {  	[sflag:s4] =	ssyncadd.s32 $0xFFFFFE00  }
0x26: {  	[tilespmem:s7], [sflag:$0x1] =	stream.indirect.gather [hbm4b:s5+s6], $0x20, s2, s6, $0xb8;
	[tilespmem:$0x4200] =	vst v63  }
0x27: {  	_ = 	snop  }
0x28: {  	[tilespmem:s8], [sflag:$0x1] =	stream.indirect.gather [hbm4b:s5+s6], $0x20, s6, s6, $0xb8;
	[tilespmem:$0x4200] =	vst v63  }
0x29: {  	_ = 	snop  }
0x2a: {  	[tilespmem:s10], [sflag:$0x1] =	stream.indirect.gather [hbm4b:s5+s6], $0x20, s9, s6, $0xb8;
	[tilespmem:$0x4200] =	vst v63  }
0x2b: {  	_ = 	snop  }
0x2c: {  	[tilespmem:s12], [sflag:$0x1] =	stream.indirect.gather [hbm4b:s5+s6], $0x20, s11, s6, $0xb8;
	[tilespmem:$0x4200] =	vst v63  }
0x2d: {  	_ =	swait.ge [sflag:s13], $0x1000  }
0x2e: {  	[sflag:s13] =	ssyncset.done $0x0  }
0x2f: {  	[sflag:s13] =	ssyncadd.s32 $0xFFFFF000  }
0x30: {  	_ =	swait.ge [sflag:s13], $0x1000  }
0x31: {  	[sflag:s13] =	ssyncset.done $0x0  }
0x32: {  	[sflag:s13] =	ssyncadd.s32 $0xFFFFF000  }
0x33: {  	_ =	swait.ge [sflag:s13], $0x1000  }
0x34: {  	[sflag:s13] =	ssyncset.done $0x0  }
0x35: {  	[sflag:s13] =	ssyncadd.s32 $0xFFFFF000  }
0x36: {  	_ =	swait.ge [sflag:s13], $0x1000  }
.Ltmp1:
0x37: {  	[sflag:s13] =	ssyncset.done $0x0;
	(pc) =	sbr.rel @p0 .LBB2_1-.Ltmp1, $4  }
0x38: {  	[sflag:s13] =	ssyncadd.s32 $0xFFFFF000  }
0x39: {  	[hbm4b:s14+s2] =	stream.linear.scatter [tilespmem:s7], [sflag:$0x2], $0x4000, $0x38;
	[tilespmem:$0x4200] =	vst v63  }
0x3a: {  	_ =	swait.ge [sflag:s15], $0x4000  }
0x3b: {  	[sflag:s15] =	ssyncset.done $0x0  }
.LBB2_2:
0x3c: {  	[sflag:s15] =	ssyncadd.s32 $0xFFFFC000  }
0x3d: {  	_ =	sfence.sel $0x180000  }
0x3e: {  	[bflag:$0x0] =	sbarrier.arrive $0xFFFF  }
0x3f: {  	p0 =	sne.s32 s0, $0x0;
	_ =	strace $0x90000047  }
0x40: {  	s0 =	sadd.s32 @!p0 $0x100000, s1;
	[bflag:$0x2] =	sbarrier.arrive $0xFFFF  }
0x41: {  	[sflag:s0] =	ssyncadd.tile.s32 @!p0 $0x1;
	_ =	shalt  }
.Lfunc_end2:
_tile_overlayer_lowered:
.L_overlay_start_2:
0x42: {  	(tag) =	ssettag $0x2  }
0x43: {  	s0 =	rddreg [dreg:$0x0];
	s2 =	stileid.u32  }
0x44: {  	s1 =	rddreg [dreg:$0x1];
	p0 =	sne.s32 s2, $0x0  }
0x45: {  	s3 =	rddreg [dreg:$0x2];
	[bflag:$0x3] =	sbarrier.arrive $0xFFFF;
	s2 =	simm.s32 @!p0 $0x1C03  }
0x46: {  	[timem:s3], [sflag:s2] =	dma.local @!p0 [hbm:s0], s1  }
0x47: {  	s0 =	simm.s32 @!p0 $0x3  }
0x48: {  	_ =	swait.ge @!p0 [sflag:s0], s1  }
0x49: {  	s1 =	ssub.s32 @!p0 $0x0, s1;
	[sflag:s0] =	ssyncset.done @!p0 $0x0  }
0x4a: {  	[sflag:s0] =	ssyncadd.s32 @!p0 s1  }
0x4b: {  	[bflag:$0x3] =	sbarrier.arrive $0xFFFF  }
0x4c: {  	_ =	shalt  }

</sc_bundles>
